<compile_context>
chip_gen: v7x
topology: tpu7x:2x2x1
jax: 0.10.2.dev20260603
libtpu: 0.0.44.dev20260713+nightly
codegen_flags: <defaults>
</compile_context>

<pallas_src>
import functools

import jax
import jax.numpy as jnp
from jax import lax
from jax.experimental import pallas as pl
from jax.experimental.pallas import tpu as pltpu
from jax.experimental.pallas import tpu_sc as plsc

_NNZ = 2684354
_LANES = 128
_BLOCK_ROWS = 1024
_BLOCK = _BLOCK_ROWS * _LANES
_GRID = (_NNZ + _BLOCK - 1) // _BLOCK
_IDX_FLAT = 2 * _NNZ
_IDX_BLOCK = 2 * _BLOCK

_KS0 = 0
_KS1 = 42
_KS2 = _KS1 ^ 0x1BD11BDA

_ROT_A = (13, 15, 26, 6)
_ROT_B = (17, 29, 16, 24)


def _rounds(x0, x1, rots):
    for d in rots:
        x0 = x0 + x1
        x1 = ((x1 << jnp.uint32(d)) | (x1 >> jnp.uint32(32 - d))) ^ x0
    return x0, x1


def _dropout_body(v_ref, o_ref):
    g = pl.program_id(0)

    shape = (_BLOCK_ROWS, _LANES)
    row = jax.lax.broadcasted_iota(jnp.uint32, shape, 0)
    lane = jax.lax.broadcasted_iota(jnp.uint32, shape, 1)
    base = (g * _BLOCK).astype(jnp.uint32)
    i = row * jnp.uint32(_LANES) + lane + base

    x1 = i + jnp.uint32(_KS1)
    x0 = x1
    x1 = ((x1 << jnp.uint32(13)) | (x1 >> jnp.uint32(19))) ^ x1
    x0, x1 = _rounds(x0, x1, _ROT_A[1:])
    x0 = x0 + jnp.uint32(_KS1)
    x1 = x1 + jnp.uint32((_KS2 + 1) & 0xFFFFFFFF)
    x0, x1 = _rounds(x0, x1, _ROT_B)
    x0 = x0 + jnp.uint32(_KS2)
    x1 = x1 + jnp.uint32(_KS0 + 2)
    x0, x1 = _rounds(x0, x1, _ROT_A)
    x0 = x0 + jnp.uint32(_KS0)
    x1 = x1 + jnp.uint32(_KS1 + 3)
    x0, x1 = _rounds(x0, x1, _ROT_B)
    x0 = x0 + jnp.uint32(_KS1)
    x1 = x1 + jnp.uint32((_KS2 + 4) & 0xFFFFFFFF)
    x0, x1 = _rounds(x0, x1, _ROT_A)
    x0 = x0 + jnp.uint32(_KS2)
    x1 = x1 + jnp.uint32(_KS0 + 5)

    bits = x0 ^ x1
    keep = bits.astype(jnp.int32) >= 0
    v = v_ref[...].reshape(shape)
    out = jnp.where(keep, v + v, jnp.zeros_like(v))
    o_ref[...] = out.reshape(_BLOCK)


_CHUNK = 81408
_TAIL_BASE = 32 * _CHUNK
_TAIL = _NNZ - _TAIL_BASE


@functools.partial(
    pl.kernel,
    out_type=jax.ShapeDtypeStruct((2, _NNZ), jnp.int32),
    mesh=plsc.VectorSubcoreMesh(core_axis_name="c", subcore_axis_name="s"),
)
def _idx_copy(idx_hbm, out_hbm):
    w = lax.axis_index("s") * 2 + lax.axis_index("c")
    base = w * _CHUNK
    pltpu.sync_copy(
        idx_hbm.at[:, pl.ds(base, _CHUNK)],
        out_hbm.at[:, pl.ds(base, _CHUNK)],
    )

    @pl.when(w == 31)
    def _tail():
        pltpu.sync_copy(
            idx_hbm.at[:, pl.ds(_TAIL_BASE, _TAIL)],
            out_hbm.at[:, pl.ds(_TAIL_BASE, _TAIL)],
        )


def kernel(indices, values):
    idx_out = _idx_copy(indices)
    out = pl.pallas_call(
        _dropout_body,
        grid=(_GRID,),
        in_specs=[pl.BlockSpec((_BLOCK,), lambda g: (g,))],
        out_specs=pl.BlockSpec((_BLOCK,), lambda g: (g,)),
        out_shape=jax.ShapeDtypeStruct((_NNZ,), jnp.float32),
    )(values)
    return idx_out, out

# --- scband reference (transcript-rebuilt; emitter-appended) ---
"""Pipeline reference for scband-sparse-dropout-80728205295659 (READ-ONLY COPY).

The authoritative reference and input builder live on the scoring server;
editing this copy changes nothing except your own understanding.
"""

import jax, jax.numpy as jnp
import numpy as np

P = 0.5
N = 16384
NNZ = 2684354

def setup_inputs(seed: int = 0) -> dict:
    key = jax.random.key(seed)
    k1, k2 = jax.random.split(key)
    indices = jax.random.randint(k1, (2, NNZ), 0, N, dtype=jnp.int64) if jax.config.jax_enable_x64 else jax.random.randint(k1, (2, NNZ), 0, N, dtype=jnp.int32).astype(jnp.int32)
    values = jax.random.normal(k2, (NNZ,), dtype=jnp.float32)
    return {"indices": indices, "values": values}

def reference(indices, values):
    # SparseDropout.forward: coalesce (indices assumed already canonical here),
    # apply dropout to the values, rebuild sparse tensor (indices, dropped_values, shape).
    # Dropout in training mode: keep with prob (1-p), scale kept values by 1/(1-p).
    keep_prob = 1.0 - P
    mask_key = jax.random.key(42)
    keep_mask = jax.random.bernoulli(mask_key, keep_prob, values.shape)
    drop_val = jnp.where(keep_mask, values / keep_prob, jnp.zeros_like(values))
    # Return the COO components of the resulting sparse FloatTensor
    return (indices, drop_val)

if __name__ == "__main__":
    import jax
    _d = setup_inputs()
    print(jax.jit(kernel)(*tuple(_d.values())))

</pallas_src>

<mosaic_0001>
#map = affine_map<(d0, d1) -> (0, 0)>
module attributes {stable_mosaic.version = 14 : i64} {
  func.func @_idx_copy(%arg0: i32, %arg1: i32, %arg2: memref<2x2684354xi32, #tpu.memory_space<hbm>>, %arg3: memref<2x2684354xi32, #tpu.memory_space<hbm>>) attributes {dimension_semantics = [#tpu.dimension_semantics<core_parallel>, #tpu.dimension_semantics<subcore_parallel>], iteration_bounds = array<i64: 2, 16>, scalar_prefetch = 0 : i64, scratch_operands = 0 : i64, tpu.core_type = #tpu.core_type<sc_vector_subcore>, window_params = [{transform_indices = #map}, {transform_indices = #map}]} {
    %mul3A = arith.constant 2 : i32
    %mul3A_0 = arith.muli %arg1, %mul3A : i32
    %add3A = arith.addi %mul3A_0, %arg0 : i32
    %mul3A_1 = arith.constant 81408 : i32
    %mul3A_2 = arith.muli %add3A, %mul3A_1 : i32
    "tpu.region"() ({
      %run_scoped3A = tpu.sem_alloc : memref<!tpu.dma_semaphore, #tpu.memory_space<semaphore_mem>>
      %dma_start3A = arith.constant 0 : i32
      %dma_start3A_5 = tpu.memref_slice %arg3[%dma_start3A, %mul3A_2] : memref<2x2684354xi32, #tpu.memory_space<hbm>> -> memref<2x81408xi32, #tpu.memory_space<hbm>>
      %dma_start3A_6 = arith.constant 0 : i32
      %dma_start3A_7 = tpu.memref_slice %arg2[%dma_start3A_6, %mul3A_2] : memref<2x2684354xi32, #tpu.memory_space<hbm>> -> memref<2x81408xi32, #tpu.memory_space<hbm>>
      tpu.enqueue_dma source(%dma_start3A_7 : memref<2x81408xi32, #tpu.memory_space<hbm>>) target(%dma_start3A_5 : memref<2x81408xi32, #tpu.memory_space<hbm>>) target_semaphore(%run_scoped3A : memref<!tpu.dma_semaphore, #tpu.memory_space<semaphore_mem>>)
      %dma_wait3A = arith.constant 0 : i32
      %dma_wait3A_8 = tpu.memref_slice %arg3[%dma_wait3A, %mul3A_2] : memref<2x2684354xi32, #tpu.memory_space<hbm>> -> memref<2x81408xi32, #tpu.memory_space<hbm>>
      %dma_wait3A_9 = arith.constant 0 : i32
      %dma_wait3A_10 = tpu.memref_slice %arg2[%dma_wait3A_9, %mul3A_2] : memref<2x2684354xi32, #tpu.memory_space<hbm>> -> memref<2x81408xi32, #tpu.memory_space<hbm>>
      tpu.wait_dma2 semaphore(%run_scoped3A : memref<!tpu.dma_semaphore, #tpu.memory_space<semaphore_mem>>) src(%dma_wait3A_10 : memref<2x81408xi32, #tpu.memory_space<hbm>>) dst(%dma_wait3A_8 : memref<2x81408xi32, #tpu.memory_space<hbm>>)
      tpu.yield
    }) : () -> ()
    %eq3A = arith.constant 31 : i32
    %eq3A_3 = arith.cmpi eq, %add3A, %eq3A : i32
    %convert_element_type3A = arith.extui %eq3A_3 : i1 to i32
    %cond3A = arith.constant 0 : i32
    %cond3A_4 = arith.cmpi ne, %convert_element_type3A, %cond3A : i32
    scf.if %cond3A_4 {
      "tpu.region"() ({
        %run_scoped3A = tpu.sem_alloc : memref<!tpu.dma_semaphore, #tpu.memory_space<semaphore_mem>>
        %dma_start3A = arith.constant 0 : i32
        %dma_start3A_5 = arith.constant 2605056 : i32
        %dma_start3A_6 = tpu.memref_slice %arg3[%dma_start3A, %dma_start3A_5] : memref<2x2684354xi32, #tpu.memory_space<hbm>> -> memref<2x79298xi32, #tpu.memory_space<hbm>>
        %dma_start3A_7 = arith.constant 0 : i32
        %dma_start3A_8 = arith.constant 2605056 : i32
        %dma_start3A_9 = tpu.memref_slice %arg2[%dma_start3A_7, %dma_start3A_8] : memref<2x2684354xi32, #tpu.memory_space<hbm>> -> memref<2x79298xi32, #tpu.memory_space<hbm>>
        tpu.enqueue_dma source(%dma_start3A_9 : memref<2x79298xi32, #tpu.memory_space<hbm>>) target(%dma_start3A_6 : memref<2x79298xi32, #tpu.memory_space<hbm>>) target_semaphore(%run_scoped3A : memref<!tpu.dma_semaphore, #tpu.memory_space<semaphore_mem>>)
        %dma_wait3A = arith.constant 0 : i32
        %dma_wait3A_10 = arith.constant 2605056 : i32
        %dma_wait3A_11 = tpu.memref_slice %arg3[%dma_wait3A, %dma_wait3A_10] : memref<2x2684354xi32, #tpu.memory_space<hbm>> -> memref<2x79298xi32, #tpu.memory_space<hbm>>
        %dma_wait3A_12 = arith.constant 0 : i32
        %dma_wait3A_13 = arith.constant 2605056 : i32
        %dma_wait3A_14 = tpu.memref_slice %arg2[%dma_wait3A_12, %dma_wait3A_13] : memref<2x2684354xi32, #tpu.memory_space<hbm>> -> memref<2x79298xi32, #tpu.memory_space<hbm>>
        tpu.wait_dma2 semaphore(%run_scoped3A : memref<!tpu.dma_semaphore, #tpu.memory_space<semaphore_mem>>) src(%dma_wait3A_14 : memref<2x79298xi32, #tpu.memory_space<hbm>>) dst(%dma_wait3A_11 : memref<2x79298xi32, #tpu.memory_space<hbm>>)
        tpu.yield
      }) : () -> ()
    } else {
    }
    return
  }
}

module attributes {stable_mosaic.version = 14 : i64} {
  func.func @_dropout_body(%arg0: i32, %arg1: memref<131072xf32, #tpu.memory_space<vmem>>, %arg2: memref<131072xf32, #tpu.memory_space<vmem>>) attributes {dimension_semantics = [#tpu.dimension_semantics<arbitrary>], iteration_bounds = array<i64: 21>, scalar_prefetch = 0 : i64, scratch_operands = 0 : i64, tpu.core_type = #tpu.core_type<tc>, window_params = [{transform_indices = @transform_0, window_bounds = array<i64: 131072>}, {transform_indices = @transform_1, window_bounds = array<i64: 131072>}]} {
    %iota3A = tpu.iota {dimensions = array<i32: 0>} : vector<1024x128xi32>
    %iota3A_0 = tpu.iota {dimensions = array<i32: 1>} : vector<1024x128xi32>
    %mul3A = arith.constant 131072 : i32
    %mul3A_1 = arith.muli %arg0, %mul3A : i32
    %mul3A_2 = arith.constant 128 : i32
    %mul3A_3 = vector.broadcast %mul3A_2 : i32 to vector<1024x128xi32>
    %mul3A_4 = arith.muli %iota3A, %mul3A_3 : vector<1024x128xi32>
    %add3A = arith.addi %mul3A_4, %iota3A_0 : vector<1024x128xi32>
    %add3A_5 = vector.broadcast %mul3A_1 : i32 to vector<1024x128xi32>
    %add3A_6 = arith.addi %add3A, %add3A_5 : vector<1024x128xi32>
    %add3A_7 = arith.constant 42 : i32
    %add3A_8 = vector.broadcast %add3A_7 : i32 to vector<1024x128xi32>
    %add3A_9 = arith.addi %add3A_6, %add3A_8 : vector<1024x128xi32>
    %shift_left3A = arith.constant 13 : i32
    %shift_left3A_10 = vector.broadcast %shift_left3A : i32 to vector<1024x128xi32>
    %shift_left3A_11 = arith.shli %add3A_9, %shift_left3A_10 : vector<1024x128xi32>
    %shift_right_logical3A = arith.constant 19 : i32
    %shift_right_logical3A_12 = vector.broadcast %shift_right_logical3A : i32 to vector<1024x128xi32>
    %shift_right_logical3A_13 = arith.shrui %add3A_9, %shift_right_logical3A_12 : vector<1024x128xi32>
    %or3A = arith.ori %shift_left3A_11, %shift_right_logical3A_13 : vector<1024x128xi32>
    %xor3A = arith.xori %or3A, %add3A_9 : vector<1024x128xi32>
    %add3A_14 = arith.addi %add3A_9, %xor3A : vector<1024x128xi32>
    %shift_left3A_15 = arith.constant 15 : i32
    %shift_left3A_16 = vector.broadcast %shift_left3A_15 : i32 to vector<1024x128xi32>
    %shift_left3A_17 = arith.shli %xor3A, %shift_left3A_16 : vector<1024x128xi32>
    %shift_right_logical3A_18 = arith.constant 17 : i32
    %shift_right_logical3A_19 = vector.broadcast %shift_right_logical3A_18 : i32 to vector<1024x128xi32>
    %shift_right_logical3A_20 = arith.shrui %xor3A, %shift_right_logical3A_19 : vector<1024x128xi32>
    %or3A_21 = arith.ori %shift_left3A_17, %shift_right_logical3A_20 : vector<1024x128xi32>
    %xor3A_22 = arith.xori %or3A_21, %add3A_14 : vector<1024x128xi32>
    %add3A_23 = arith.addi %add3A_14, %xor3A_22 : vector<1024x128xi32>
    %shift_left3A_24 = arith.constant 26 : i32
    %shift_left3A_25 = vector.broadcast %shift_left3A_24 : i32 to vector<1024x128xi32>
    %shift_left3A_26 = arith.shli %xor3A_22, %shift_left3A_25 : vector<1024x128xi32>
    %shift_right_logical3A_27 = arith.constant 6 : i32
    %shift_right_logical3A_28 = vector.broadcast %shift_right_logical3A_27 : i32 to vector<1024x128xi32>
    %shift_right_logical3A_29 = arith.shrui %xor3A_22, %shift_right_logical3A_28 : vector<1024x128xi32>
    %or3A_30 = arith.ori %shift_left3A_26, %shift_right_logical3A_29 : vector<1024x128xi32>
    %xor3A_31 = arith.xori %or3A_30, %add3A_23 : vector<1024x128xi32>
    %add3A_32 = arith.addi %add3A_23, %xor3A_31 : vector<1024x128xi32>
    %shift_left3A_33 = arith.constant 6 : i32
    %shift_left3A_34 = vector.broadcast %shift_left3A_33 : i32 to vector<1024x128xi32>
    %shift_left3A_35 = arith.shli %xor3A_31, %shift_left3A_34 : vector<1024x128xi32>
    %shift_right_logical3A_36 = arith.constant 26 : i32
    %shift_right_logical3A_37 = vector.broadcast %shift_right_logical3A_36 : i32 to vector<1024x128xi32>
    %shift_right_logical3A_38 = arith.shrui %xor3A_31, %shift_right_logical3A_37 : vector<1024x128xi32>
    %or3A_39 = arith.ori %shift_left3A_35, %shift_right_logical3A_38 : vector<1024x128xi32>
    %xor3A_40 = arith.xori %or3A_39, %add3A_32 : vector<1024x128xi32>
    %add3A_41 = arith.constant 42 : i32
    %add3A_42 = vector.broadcast %add3A_41 : i32 to vector<1024x128xi32>
    %add3A_43 = arith.addi %add3A_32, %add3A_42 : vector<1024x128xi32>
    %add3A_44 = arith.constant 466689009 : i32
    %add3A_45 = vector.broadcast %add3A_44 : i32 to vector<1024x128xi32>
    %add3A_46 = arith.addi %xor3A_40, %add3A_45 : vector<1024x128xi32>
    %add3A_47 = arith.addi %add3A_43, %add3A_46 : vector<1024x128xi32>
    %shift_left3A_48 = arith.constant 17 : i32
    %shift_left3A_49 = vector.broadcast %shift_left3A_48 : i32 to vector<1024x128xi32>
    %shift_left3A_50 = arith.shli %add3A_46, %shift_left3A_49 : vector<1024x128xi32>
    %shift_right_logical3A_51 = arith.constant 15 : i32
    %shift_right_logical3A_52 = vector.broadcast %shift_right_logical3A_51 : i32 to vector<1024x128xi32>
    %shift_right_logical3A_53 = arith.shrui %add3A_46, %shift_right_logical3A_52 : vector<1024x128xi32>
    %or3A_54 = arith.ori %shift_left3A_50, %shift_right_logical3A_53 : vector<1024x128xi32>
    %xor3A_55 = arith.xori %or3A_54, %add3A_47 : vector<1024x128xi32>
    %add3A_56 = arith.addi %add3A_47, %xor3A_55 : vector<1024x128xi32>
    %shift_left3A_57 = arith.constant 29 : i32
    %shift_left3A_58 = vector.broadcast %shift_left3A_57 : i32 to vector<1024x128xi32>
    %shift_left3A_59 = arith.shli %xor3A_55, %shift_left3A_58 : vector<1024x128xi32>
    %shift_right_logical3A_60 = arith.constant 3 : i32
    %shift_right_logical3A_61 = vector.broadcast %shift_right_logical3A_60 : i32 to vector<1024x128xi32>
    %shift_right_logical3A_62 = arith.shrui %xor3A_55, %shift_right_logical3A_61 : vector<1024x128xi32>
    %or3A_63 = arith.ori %shift_left3A_59, %shift_right_logical3A_62 : vector<1024x128xi32>
    %xor3A_64 = arith.xori %or3A_63, %add3A_56 : vector<1024x128xi32>
    %add3A_65 = arith.addi %add3A_56, %xor3A_64 : vector<1024x128xi32>
    %shift_left3A_66 = arith.constant 16 : i32
    %shift_left3A_67 = vector.broadcast %shift_left3A_66 : i32 to vector<1024x128xi32>
    %shift_left3A_68 = arith.shli %xor3A_64, %shift_left3A_67 : vector<1024x128xi32>
    %shift_right_logical3A_69 = arith.constant 16 : i32
    %shift_right_logical3A_70 = vector.broadcast %shift_right_logical3A_69 : i32 to vector<1024x128xi32>
    %shift_right_logical3A_71 = arith.shrui %xor3A_64, %shift_right_logical3A_70 : vector<1024x128xi32>
    %or3A_72 = arith.ori %shift_left3A_68, %shift_right_logical3A_71 : vector<1024x128xi32>
    %xor3A_73 = arith.xori %or3A_72, %add3A_65 : vector<1024x128xi32>
    %add3A_74 = arith.addi %add3A_65, %xor3A_73 : vector<1024x128xi32>
    %shift_left3A_75 = arith.constant 24 : i32
    %shift_left3A_76 = vector.broadcast %shift_left3A_75 : i32 to vector<1024x128xi32>
    %shift_left3A_77 = arith.shli %xor3A_73, %shift_left3A_76 : vector<1024x128xi32>
    %shift_right_logical3A_78 = arith.constant 8 : i32
    %shift_right_logical3A_79 = vector.broadcast %shift_right_logical3A_78 : i32 to vector<1024x128xi32>
    %shift_right_logical3A_80 = arith.shrui %xor3A_73, %shift_right_logical3A_79 : vector<1024x128xi32>
    %or3A_81 = arith.ori %shift_left3A_77, %shift_right_logical3A_80 : vector<1024x128xi32>
    %xor3A_82 = arith.xori %or3A_81, %add3A_74 : vector<1024x128xi32>
    %add3A_83 = arith.constant 466689008 : i32
    %add3A_84 = vector.broadcast %add3A_83 : i32 to vector<1024x128xi32>
    %add3A_85 = arith.addi %add3A_74, %add3A_84 : vector<1024x128xi32>
    %add3A_86 = arith.constant 2 : i32
    %add3A_87 = vector.broadcast %add3A_86 : i32 to vector<1024x128xi32>
    %add3A_88 = arith.addi %xor3A_82, %add3A_87 : vector<1024x128xi32>
    %add3A_89 = arith.addi %add3A_85, %add3A_88 : vector<1024x128xi32>
    %shift_left3A_90 = arith.constant 13 : i32
    %shift_left3A_91 = vector.broadcast %shift_left3A_90 : i32 to vector<1024x128xi32>
    %shift_left3A_92 = arith.shli %add3A_88, %shift_left3A_91 : vector<1024x128xi32>
    %shift_right_logical3A_93 = arith.constant 19 : i32
    %shift_right_logical3A_94 = vector.broadcast %shift_right_logical3A_93 : i32 to vector<1024x128xi32>
    %shift_right_logical3A_95 = arith.shrui %add3A_88, %shift_right_logical3A_94 : vector<1024x128xi32>
    %or3A_96 = arith.ori %shift_left3A_92, %shift_right_logical3A_95 : vector<1024x128xi32>
    %xor3A_97 = arith.xori %or3A_96, %add3A_89 : vector<1024x128xi32>
    %add3A_98 = arith.addi %add3A_89, %xor3A_97 : vector<1024x128xi32>
    %shift_left3A_99 = arith.constant 15 : i32
    %shift_left3A_100 = vector.broadcast %shift_left3A_99 : i32 to vector<1024x128xi32>
    %shift_left3A_101 = arith.shli %xor3A_97, %shift_left3A_100 : vector<1024x128xi32>
    %shift_right_logical3A_102 = arith.constant 17 : i32
    %shift_right_logical3A_103 = vector.broadcast %shift_right_logical3A_102 : i32 to vector<1024x128xi32>
    %shift_right_logical3A_104 = arith.shrui %xor3A_97, %shift_right_logical3A_103 : vector<1024x128xi32>
    %or3A_105 = arith.ori %shift_left3A_101, %shift_right_logical3A_104 : vector<1024x128xi32>
    %xor3A_106 = arith.xori %or3A_105, %add3A_98 : vector<1024x128xi32>
    %add3A_107 = arith.addi %add3A_98, %xor3A_106 : vector<1024x128xi32>
    %shift_left3A_108 = arith.constant 26 : i32
    %shift_left3A_109 = vector.broadcast %shift_left3A_108 : i32 to vector<1024x128xi32>
    %shift_left3A_110 = arith.shli %xor3A_106, %shift_left3A_109 : vector<1024x128xi32>
    %shift_right_logical3A_111 = arith.constant 6 : i32
    %shift_right_logical3A_112 = vector.broadcast %shift_right_logical3A_111 : i32 to vector<1024x128xi32>
    %shift_right_logical3A_113 = arith.shrui %xor3A_106, %shift_right_logical3A_112 : vector<1024x128xi32>
    %or3A_114 = arith.ori %shift_left3A_110, %shift_right_logical3A_113 : vector<1024x128xi32>
    %xor3A_115 = arith.xori %or3A_114, %add3A_107 : vector<1024x128xi32>
    %add3A_116 = arith.addi %add3A_107, %xor3A_115 : vector<1024x128xi32>
    %shift_left3A_117 = arith.constant 6 : i32
    %shift_left3A_118 = vector.broadcast %shift_left3A_117 : i32 to vector<1024x128xi32>
    %shift_left3A_119 = arith.shli %xor3A_115, %shift_left3A_118 : vector<1024x128xi32>
    %shift_right_logical3A_120 = arith.constant 26 : i32
    %shift_right_logical3A_121 = vector.broadcast %shift_right_logical3A_120 : i32 to vector<1024x128xi32>
    %shift_right_logical3A_122 = arith.shrui %xor3A_115, %shift_right_logical3A_121 : vector<1024x128xi32>
    %or3A_123 = arith.ori %shift_left3A_119, %shift_right_logical3A_122 : vector<1024x128xi32>
    %xor3A_124 = arith.xori %or3A_123, %add3A_116 : vector<1024x128xi32>
    %add3A_125 = arith.constant 0 : i32
    %add3A_126 = vector.broadcast %add3A_125 : i32 to vector<1024x128xi32>
    %add3A_127 = arith.addi %add3A_116, %add3A_126 : vector<1024x128xi32>
    %add3A_128 = arith.constant 45 : i32
    %add3A_129 = vector.broadcast %add3A_128 : i32 to vector<1024x128xi32>
    %add3A_130 = arith.addi %xor3A_124, %add3A_129 : vector<1024x128xi32>
    %add3A_131 = arith.addi %add3A_127, %add3A_130 : vector<1024x128xi32>
    %shift_left3A_132 = arith.constant 17 : i32
    %shift_left3A_133 = vector.broadcast %shift_left3A_132 : i32 to vector<1024x128xi32>
    %shift_left3A_134 = arith.shli %add3A_130, %shift_left3A_133 : vector<1024x128xi32>
    %shift_right_logical3A_135 = arith.constant 15 : i32
    %shift_right_logical3A_136 = vector.broadcast %shift_right_logical3A_135 : i32 to vector<1024x128xi32>
    %shift_right_logical3A_137 = arith.shrui %add3A_130, %shift_right_logical3A_136 : vector<1024x128xi32>
    %or3A_138 = arith.ori %shift_left3A_134, %shift_right_logical3A_137 : vector<1024x128xi32>
    %xor3A_139 = arith.xori %or3A_138, %add3A_131 : vector<1024x128xi32>
    %add3A_140 = arith.addi %add3A_131, %xor3A_139 : vector<1024x128xi32>
    %shift_left3A_141 = arith.constant 29 : i32
    %shift_left3A_142 = vector.broadcast %shift_left3A_141 : i32 to vector<1024x128xi32>
    %shift_left3A_143 = arith.shli %xor3A_139, %shift_left3A_142 : vector<1024x128xi32>
    %shift_right_logical3A_144 = arith.constant 3 : i32
    %shift_right_logical3A_145 = vector.broadcast %shift_right_logical3A_144 : i32 to vector<1024x128xi32>
    %shift_right_logical3A_146 = arith.shrui %xor3A_139, %shift_right_logical3A_145 : vector<1024x128xi32>
    %or3A_147 = arith.ori %shift_left3A_143, %shift_right_logical3A_146 : vector<1024x128xi32>
    %xor3A_148 = arith.xori %or3A_147, %add3A_140 : vector<1024x128xi32>
    %add3A_149 = arith.addi %add3A_140, %xor3A_148 : vector<1024x128xi32>
    %shift_left3A_150 = arith.constant 16 : i32
    %shift_left3A_151 = vector.broadcast %shift_left3A_150 : i32 to vector<1024x128xi32>
    %shift_left3A_152 = arith.shli %xor3A_148, %shift_left3A_151 : vector<1024x128xi32>
    %shift_right_logical3A_153 = arith.constant 16 : i32
    %shift_right_logical3A_154 = vector.broadcast %shift_right_logical3A_153 : i32 to vector<1024x128xi32>
    %shift_right_logical3A_155 = arith.shrui %xor3A_148, %shift_right_logical3A_154 : vector<1024x128xi32>
    %or3A_156 = arith.ori %shift_left3A_152, %shift_right_logical3A_155 : vector<1024x128xi32>
    %xor3A_157 = arith.xori %or3A_156, %add3A_149 : vector<1024x128xi32>
    %add3A_158 = arith.addi %add3A_149, %xor3A_157 : vector<1024x128xi32>
    %shift_left3A_159 = arith.constant 24 : i32
    %shift_left3A_160 = vector.broadcast %shift_left3A_159 : i32 to vector<1024x128xi32>
    %shift_left3A_161 = arith.shli %xor3A_157, %shift_left3A_160 : vector<1024x128xi32>
    %shift_right_logical3A_162 = arith.constant 8 : i32
    %shift_right_logical3A_163 = vector.broadcast %shift_right_logical3A_162 : i32 to vector<1024x128xi32>
    %shift_right_logical3A_164 = arith.shrui %xor3A_157, %shift_right_logical3A_163 : vector<1024x128xi32>
    %or3A_165 = arith.ori %shift_left3A_161, %shift_right_logical3A_164 : vector<1024x128xi32>
    %xor3A_166 = arith.xori %or3A_165, %add3A_158 : vector<1024x128xi32>
    %add3A_167 = arith.constant 42 : i32
    %add3A_168 = vector.broadcast %add3A_167 : i32 to vector<1024x128xi32>
    %add3A_169 = arith.addi %add3A_158, %add3A_168 : vector<1024x128xi32>
    %add3A_170 = arith.constant 466689012 : i32
    %add3A_171 = vector.broadcast %add3A_170 : i32 to vector<1024x128xi32>
    %add3A_172 = arith.addi %xor3A_166, %add3A_171 : vector<1024x128xi32>
    %add3A_173 = arith.addi %add3A_169, %add3A_172 : vector<1024x128xi32>
    %shift_left3A_174 = arith.constant 13 : i32
    %shift_left3A_175 = vector.broadcast %shift_left3A_174 : i32 to vector<1024x128xi32>
    %shift_left3A_176 = arith.shli %add3A_172, %shift_left3A_175 : vector<1024x128xi32>
    %shift_right_logical3A_177 = arith.constant 19 : i32
    %shift_right_logical3A_178 = vector.broadcast %shift_right_logical3A_177 : i32 to vector<1024x128xi32>
    %shift_right_logical3A_179 = arith.shrui %add3A_172, %shift_right_logical3A_178 : vector<1024x128xi32>
    %or3A_180 = arith.ori %shift_left3A_176, %shift_right_logical3A_179 : vector<1024x128xi32>
    %xor3A_181 = arith.xori %or3A_180, %add3A_173 : vector<1024x128xi32>
    %add3A_182 = arith.addi %add3A_173, %xor3A_181 : vector<1024x128xi32>
    %shift_left3A_183 = arith.constant 15 : i32
    %shift_left3A_184 = vector.broadcast %shift_left3A_183 : i32 to vector<1024x128xi32>
    %shift_left3A_185 = arith.shli %xor3A_181, %shift_left3A_184 : vector<1024x128xi32>
    %shift_right_logical3A_186 = arith.constant 17 : i32
    %shift_right_logical3A_187 = vector.broadcast %shift_right_logical3A_186 : i32 to vector<1024x128xi32>
    %shift_right_logical3A_188 = arith.shrui %xor3A_181, %shift_right_logical3A_187 : vector<1024x128xi32>
    %or3A_189 = arith.ori %shift_left3A_185, %shift_right_logical3A_188 : vector<1024x128xi32>
    %xor3A_190 = arith.xori %or3A_189, %add3A_182 : vector<1024x128xi32>
    %add3A_191 = arith.addi %add3A_182, %xor3A_190 : vector<1024x128xi32>
    %shift_left3A_192 = arith.constant 26 : i32
    %shift_left3A_193 = vector.broadcast %shift_left3A_192 : i32 to vector<1024x128xi32>
    %shift_left3A_194 = arith.shli %xor3A_190, %shift_left3A_193 : vector<1024x128xi32>
    %shift_right_logical3A_195 = arith.constant 6 : i32
    %shift_right_logical3A_196 = vector.broadcast %shift_right_logical3A_195 : i32 to vector<1024x128xi32>
    %shift_right_logical3A_197 = arith.shrui %xor3A_190, %shift_right_logical3A_196 : vector<1024x128xi32>
    %or3A_198 = arith.ori %shift_left3A_194, %shift_right_logical3A_197 : vector<1024x128xi32>
    %xor3A_199 = arith.xori %or3A_198, %add3A_191 : vector<1024x128xi32>
    %add3A_200 = arith.addi %add3A_191, %xor3A_199 : vector<1024x128xi32>
    %shift_left3A_201 = arith.constant 6 : i32
    %shift_left3A_202 = vector.broadcast %shift_left3A_201 : i32 to vector<1024x128xi32>
    %shift_left3A_203 = arith.shli %xor3A_199, %shift_left3A_202 : vector<1024x128xi32>
    %shift_right_logical3A_204 = arith.constant 26 : i32
    %shift_right_logical3A_205 = vector.broadcast %shift_right_logical3A_204 : i32 to vector<1024x128xi32>
    %shift_right_logical3A_206 = arith.shrui %xor3A_199, %shift_right_logical3A_205 : vector<1024x128xi32>
    %or3A_207 = arith.ori %shift_left3A_203, %shift_right_logical3A_206 : vector<1024x128xi32>
    %xor3A_208 = arith.xori %or3A_207, %add3A_200 : vector<1024x128xi32>
    %add3A_209 = arith.constant 466689008 : i32
    %add3A_210 = vector.broadcast %add3A_209 : i32 to vector<1024x128xi32>
    %add3A_211 = arith.addi %add3A_200, %add3A_210 : vector<1024x128xi32>
    %add3A_212 = arith.constant 5 : i32
    %add3A_213 = vector.broadcast %add3A_212 : i32 to vector<1024x128xi32>
    %add3A_214 = arith.addi %xor3A_208, %add3A_213 : vector<1024x128xi32>
    %xor3A_215 = arith.xori %add3A_211, %add3A_214 : vector<1024x128xi32>
    %ge3A = arith.constant 0 : i32
    %ge3A_216 = vector.broadcast %ge3A : i32 to vector<1024x128xi32>
    %ge3A_217 = arith.cmpi sge, %xor3A_215, %ge3A_216 : vector<1024x128xi32>
    %get3A = arith.constant 0 : index
    %get3A_218 = vector.load %arg1[%get3A] : memref<131072xf32, #tpu.memory_space<vmem>>, vector<131072xf32>
    %reshape3A = vector.shape_cast %get3A_218 : vector<131072xf32> to vector<1024x128xf32>
    %add3A_219 = arith.addf %reshape3A, %reshape3A : vector<1024x128xf32>
    %broadcast_in_dim3A = arith.constant 0.000000e+00 : f32
    %broadcast_in_dim3A_220 = vector.broadcast %broadcast_in_dim3A : f32 to vector<1024x128xf32>
    %select_n3A = arith.select %ge3A_217, %add3A_219, %broadcast_in_dim3A_220 : vector<1024x128xi1>, vector<1024x128xf32>
    %reshape3A_221 = vector.shape_cast %select_n3A : vector<1024x128xf32> to vector<131072xf32>
    %swap3A = arith.constant 0 : index
    %swap3A_222 = vector.load %arg2[%swap3A] : memref<131072xf32, #tpu.memory_space<vmem>>, vector<131072xf32>
    tpu.vector_store %arg2[%swap3A], %reshape3A_221 {strides = array<i32>} : memref<131072xf32, #tpu.memory_space<vmem>>, vector<131072xf32>,
    return
  }
  func.func @transform_0(%arg0: i32) -> i32 {
    %c0_i32 = arith.constant 0 : i32
    return %arg0 : i32
  }
  func.func @transform_1(%arg0: i32) -> i32 {
    %c0_i32 = arith.constant 0 : i32
    return %arg0 : i32
  }
}

</mosaic_0001>

<sc_bundles>
// kernel: kernel.4.cloned.1.call-start
scs
__scs_entry_jumppad:
0x0: {  	(pc) =	sbr.rel $0x88, $3  }
0x1: {  	(tag) =	ssettag $0x0;
	lr =	simm.s32 $0x1  }
0x2: {  	[smem:$0x3F9F] =	sst lr;
	_ =	strace $0xD0000000  }
0x3: {  	_ = 	snop  }
0x4: {  	_ = 	snop  }
0x5: {  	_ = 	snop  }
0x6: {  	_ = 	snop  }
0x7: {  	_ = 	snop  }
__scs_overlays_trampoline_lowered:
0x8: {  	[smem:$0x3FAE] =	sst s0  }
0x9: {  	[smem:$0x3FAF] =	sst s1  }
0xa: {  	[smem:$0x3FB0] =	sst s2  }
0xb: {  	[smem:$0x3FB1] =	sst s3  }
0xc: {  	[smem:$0x3FB2] =	sst s4  }
0xd: {  	[smem:$0x3FB3] =	sst s5  }
0xe: {  	[smem:$0x3FB4] =	sst s6  }
0xf: {  	[smem:$0x3FB5] =	sst s7  }
0x10: {  	[smem:$0x3FB6] =	sst s8  }
0x11: {  	[smem:$0x3FB7] =	sst s9;
	s0 =	simm.s32 @!p0 $0x0  }
0x12: {  	s1 =	sld [smem:$0x3F9D];
	s0 =	simm.s32 @p0 $0x1  }
0x13: {  	[smem:$0x3FB8] =	sst s0;
	s0 =	simm.s32 @!p1 $0x0  }
0x14: {  	s2 =	sld [smem:$0x3F9C];
	s0 =	simm.s32 @p1 $0x1  }
0x15: {  	[smem:$0x3FB9] =	sst s0;
	s0 =	simm.s32 @!p2 $0x0  }
0x16: {  	s3 =	sld [smem:$0x3FDB];
	s0 =	simm.s32 @p2 $0x1  }
0x17: {  	s4 =	simm.s32 $0x1BF5;
	[smem:$0x3FBB] =	sst s0  }
0x18: {  	s0 =	sld [smem:$0x3F9E];
	_ =	swait.ge [sflag:s4], $0x0  }
0x19: {  	s7 =	sld [smem:$0x3F9F]  }
0x1a: {  	s8 =	sadd.s32 $0xFFFFE003, lr  }
0x1b: {  	s9 =	sadd.s32 $0xFFFFFEF7, lr;
	s5 =	simm.s32 $0xFFFFFFFF;
	p2 =	slt.u32 s8, $0xFFFFF086  }
0x1c: {  	p1 =	slt.u32 s9, $0xF7A;
	s5 =	simm.s32 @!p2 $0x0  }
0x1d: {  	s5 =	simm.s32 @p1 $0x1;
	p0 =	seq.s32 s7, s2  }
0x1e: {  	s7 =	smul.u32 @!p0 $0xF7A, s2;
	p2 =	seq.s32 @!p0 s5, $0x0  }
0x1f: {  	s9 =	smul.u32 $0xF7A, s1;
	s8 =	simm.s32 @!p0 $0x1BF5;
	p2 =	por !p2, p0  }
0x20: {  	[sflag:s8] =	ssyncset.s32 @!p0 $0xFFFFF086;
	s6 =	sadd.s32 @!p0 s3, s7;
	s7 =	simm.s32 @!p0 $0x108  }
0x21: {  	s3 =	sadd.s32 s3, s9;
	s6 =	sadd.s32 @!p0 $0x88, s6;
	s7 =	simm.s32 @p2 $0x1082  }
0x22: {  	[simem:s7], [sflag:s8] =	dma.local @!p0 [hbm:s6], $0xF7A  }
0x23: {  	s9 =	sor.u32 $0xD0000000, s2;
	s6 =	simm.s32 $0x108;
	_ =	swait.ge @!p0 [sflag:s8], $0x0  }
0x24: {  	s3 =	sadd.s32 $0x88, s3;
	s6 =	simm.s32 @!p1 $0x1082;
	[sflag:s4] =	ssyncset.s32 $0xFFFFF086  }
0x25: {  	[simem:s6], [sflag:s4] =	dma.local [hbm:s3], $0xF7A  }
0x26: {  	[smem:$0x3F9F] =	sst s1;
	(tag) =	ssettag s2;
	_ =	strace s9  }
0x27: {  	s1 =	sld [smem:$0x3FAF]  }
0x28: {  	s2 =	sld [smem:$0x3FB0]  }
0x29: {  	s4 =	sld [smem:$0x3FB2]  }
0x2a: {  	p0 =	seq.s32 s5, $0x0;
	s5 =	sld [smem:$0x3FB3]  }
0x2b: {  	s6 =	sld [smem:$0x3FB4]  }
0x2c: {  	s7 =	sld [smem:$0x3FB5]  }
0x2d: {  	s3 =	simm.s32 $0x108;
	s8 =	sld [smem:$0x3FB6]  }
0x2e: {  	s3 =	simm.s32 @!p0 $0x1082;
	s9 =	sld [smem:$0x3FB7]  }
0x2f: {  	lr =	sadd.s32 s0, s3;
	s0 =	sld [smem:$0x3FAE]  }
0x30: {  	s3 =	sld [smem:$0x3FB1]  }
0x31: {  	[smem:$0x3FBA] =	sst s10  }
0x32: {  	s10 =	sld [smem:$0x3FB8];
	_ =	sdelay $0x3  }
0x33: {  	p0 =	seq.s32 s10, $0x1;
	s10 =	sld [smem:$0x3FBA];
	_ =	sdelay $0x3  }
0x34: {  	[smem:$0x3FBA] =	sst s10  }
0x35: {  	s10 =	sld [smem:$0x3FB9];
	_ =	sdelay $0x3  }
0x36: {  	p1 =	seq.s32 s10, $0x1;
	s10 =	sld [smem:$0x3FBA];
	_ =	sdelay $0x3  }
0x37: {  	[smem:$0x3FBA] =	sst s10  }
0x38: {  	s10 =	sld [smem:$0x3FBB]  }
0x39: {  	_ = 	snop;
	(pc) =	sbr.ind lr, $3  }
0x3a: {  	_ = 	snop  }
0x3b: {  	_ = 	snop  }
0x3c: {  	p2 =	seq.s32 s10, $0x1;
	s10 =	sld [smem:$0x3FBA]  }
0x3d: {  	_ =	shalt  }
0x3e: {  	_ =	shalt  }
0x3f: {  	_ =	shalt  }
0x40: {  	_ =	shalt  }
0x41: {  	_ =	shalt  }
0x42: {  	_ =	shalt  }
0x43: {  	_ =	shalt  }
0x44: {  	_ =	shalt  }
0x45: {  	_ =	shalt  }
0x46: {  	_ =	shalt  }
0x47: {  	_ =	shalt  }
0x48: {  	_ =	shalt  }
0x49: {  	_ =	shalt  }
0x4a: {  	_ =	shalt  }
0x4b: {  	_ =	shalt  }
0x4c: {  	_ =	shalt  }
0x4d: {  	_ =	shalt  }
0x4e: {  	_ =	shalt  }
0x4f: {  	_ =	shalt  }
0x50: {  	_ =	shalt  }
0x51: {  	_ =	shalt  }
0x52: {  	_ =	shalt  }
0x53: {  	_ =	shalt  }
0x54: {  	_ =	shalt  }
0x55: {  	_ =	shalt  }
0x56: {  	_ =	shalt  }
0x57: {  	_ =	shalt  }
0x58: {  	_ =	shalt  }
0x59: {  	_ =	shalt  }
0x5a: {  	_ =	shalt  }
0x5b: {  	_ =	shalt  }
0x5c: {  	_ =	shalt  }
0x5d: {  	_ =	shalt  }
0x5e: {  	_ =	shalt  }
0x5f: {  	_ =	shalt  }
0x60: {  	_ =	shalt  }
0x61: {  	_ =	shalt  }
0x62: {  	_ =	shalt  }
0x63: {  	_ =	shalt  }
0x64: {  	_ =	shalt  }
0x65: {  	_ =	shalt  }
0x66: {  	_ =	shalt  }
0x67: {  	_ =	shalt  }
0x68: {  	_ =	shalt  }
0x69: {  	_ =	shalt  }
0x6a: {  	_ =	shalt  }
0x6b: {  	_ =	shalt  }
0x6c: {  	_ =	shalt  }
0x6d: {  	_ =	shalt  }
0x6e: {  	_ =	shalt  }
0x6f: {  	_ =	shalt  }
0x70: {  	_ =	shalt  }
0x71: {  	_ =	shalt  }
0x72: {  	_ =	shalt  }
0x73: {  	_ =	shalt  }
0x74: {  	_ =	shalt  }
0x75: {  	_ =	shalt  }
0x76: {  	_ =	shalt  }
0x77: {  	_ =	shalt  }
0x78: {  	_ =	shalt  }
0x79: {  	_ =	shalt  }
0x7a: {  	_ =	shalt  }
0x7b: {  	_ =	shalt  }
0x7c: {  	_ =	shalt  }
0x7d: {  	_ =	shalt  }
0x7e: {  	_ =	shalt  }
0x7f: {  	_ =	shalt  }
0x80: {  	_ =	shalt  }
0x81: {  	_ =	shalt  }
0x82: {  	_ =	shalt  }
0x83: {  	_ =	shalt  }
0x84: {  	_ =	shalt  }
0x85: {  	_ =	shalt  }
0x86: {  	_ =	shalt  }
0x87: {  	_ =	shalt  }
.Lfunc_end0:
.L_simem_size_0:
called_computation_lowered:
.L_overlay_start_0:
0x88: {  	s2 =	sld [smem:$0x3FD9]  }
0x89: {  	s3 =	sld [smem:$0x3FFE];
	_ =	sdelay $0x1  }
0x8a: {  	s1 =	srdreg.scid  }
0x8b: {  	s0 =	sand.u32 $0x1, s1  }
0x8c: {  	s15 =	sshll.u32 s0, $0xA;
	s2 =	sadd.s32 s3, s2  }
0x8d: {  	s2 =	sadd.s32 s2, s15  }
0x8e: {  	[smem:$0x3FC6] =	sst s2  }
0x8f: {  	_ = 	snop  }
0x90: {  	s2 =	sld [smem:$0x3FD0];
	_ =	sdelay $0x2  }
0x91: {  	s4 =	simm.s32 $0xA;
	s5 =	simm.s32 $0x10;
	s16 =	sld [smem:$0x3FC9]  }
0x92: {  	[smem:s5], [sflag:s4] =	dma.local [hbm:s2], $0x1  }
0x93: {  	_ =	swait.eq [sflag:s4], $0x1  }
0x94: {  	[sflag:s4] =	ssyncset.done $0x0  }
0x95: {  	[sflag:s4] =	ssyncadd.s32 $0xFFFFFFFF  }
0x96: {  	s17 =	sld [smem:$0x10];
	(tm) =	ssettm $0x1  }
0x97: {  	s18 =	sld [smem:$0x3FFB];
	_ =	sdelay $0x3  }
0x98: {  	_ =	strace s18  }
0x99: {  	s4 =	sld [smem:$0x3FFC];
	_ =	sdelay $0x3  }
0x9a: {  	_ =	strace s4  }
0x9b: {  	s4 =	sld [smem:$0x3FFD];
	_ =	sdelay $0x3  }
0x9c: {  	_ =	strace s4  }
0x9d: {  	_ =	strace $0x8FFFFFFF  }
0x9e: {  	s19 =	sld [smem:$0x3FDB];
	_ =	sdelay $0x1  }
0x9f: {  	s20 =	simm.s32 $_scs_section_size  }
0xa0: {  	s6 =	simm.s32 $_size__tile_overlayer_lowered;
	s7 =	simm.s32 $_tile_overlayer_lowered  }
0xa1: {  	s23 =	simm.s32 $0x1BFF;
	s22 =	sshll.u32 s7, $0x1;
	s4 =	sadd.s32 s20, s19  }
0xa2: {  	s8 =	simm.s32 $0x0;
	s21 =	sshll.u32 s6, $0x1;
	s6 =	sadd.s32 s22, s4  }
0xa3: {  	[timem:s8], [sflag:s23] =	dma.local [hbm:s6], s21  }
0xa4: {  	_ =	swait.ge [sflag:s23], s21  }
0xa5: {  	s5 =	ssub.s32 $0x0, s21;
	[sflag:s23] =	ssyncset.done $0x0  }
0xa6: {  	[sflag:s23] =	ssyncadd.s32 s5;
	_ =	sdelay $0x1  }
0xa7: {  	s24 =	simm.s32 $0x1B8B  }
0xa8: {  	_ =	swait.ge [sflag:s24], $0x1  }
0xa9: {  	[sflag:s24] =	ssyncset.done $0x0  }
0xaa: {  	s25 =	simm.s32 $0x1B8E;
	[sflag:s24] =	ssyncadd.s32 $0xFFFFFFFF  }
0xab: {  	s26 =	simm.s32 $execute0_lowered;
	[smem:$0x3FD2] =	sst s25  }
0xac: {  	s5 =	sshll.u32 s26, $0x1;
	_ =	strace $0x80000046;
	[dreg:$0x1] =	wrdreg $0xFFFFFFFF  }
0xad: {  	s28 =	simm.s32 $_size_execute0_lowered;
	s4 =	sadd.s32 s4, s5;
	[dreg:$0x0] =	wrdreg $0x0  }
0xae: {  	s5 =	sshll.u32 s28, $0x1;
	[dreg:$0x2] =	wrdreg s4  }
0xaf: {  	[dreg:$0x3] =	wrdreg s5  }
0xb0: {  	[dreg:$0x4] =	wrdreg $0xC0  }
0xb1: {  	_ =	task [dreg:s8], $0x5FFFF  }
0xb2: {  	[dreg:$0x1] =	wrdreg $0xFFFFFFFF  }
0xb3: {  	[dreg:$0x0] =	wrdreg $0x60  }
0xb4: {  	[dreg:$0x2] =	wrdreg s16  }
0xb5: {  	[dreg:$0x3] =	wrdreg s17  }
0xb6: {  	[dreg:$0x4] =	wrdreg $0x9  }
0xb7: {  	_ =	task.clear_ibuf [dreg:s8], $0x5FFFF;
	_ =	strace $0x90000046  }
0xb8: {  	s29 =	simm.s32 $0x9;
	_ =	strace $0x80000048  }
0xb9: {  	_ =	swait.ge [sflag:s29], $0x1  }
0xba: {  	[sflag:s29] =	ssyncadd.s32 $0xFFFFFFFF  }
0xbb: {  	_ =	strace $0x90000048  }
0xbc: {  	_ =	sfence  }
0xbd: {  	s30 =	sld [smem:$0x0];
	_ =	sdelay $0x2  }
0xbe: {  	s31 =	sshll.u32 s1, $0xD;
	s1 =	sshrl.u32 s1, $0x2  }
0xbf: {  	s3 =	sand.u32 $0x4000, s31;
	s1 =	sadd.s32 s1, s30  }
0xc0: {  	s0 =	sor.u32 s3, s0;
	s1 =	sshll.u32 s1, $0x11  }
0xc1: {  	s0 =	sor.u32 s1, s0  }
0xc2: {  	s0 =	sadd.s32 $0x8F2B, s0  }
0xc3: {  	[sflag:s0] =	ssyncadd.remote.s32 $0x1  }
0xc4: {  	_ =	sfence.sel $0xFFFF  }
0xc5: {  	[dreg:$0x0] =	wrdreg $0xFFFFFFFF;
	(pc) =	sbr.abs _section_cstart, $3  }
0xc6: {  	[dreg:$0x1] =	wrdreg $0xFFFFFFFF  }
0xc7: {  	_ =	task.clear_ibuf [dreg:s8], $0x2FFFF;
	_ =	strace $0x9FFFFFFF  }
0xc8: {  	(tm) =	ssettm $0x7FFFFFFF  }
0xc9: {  	_ =	shalt  }
tec
execute0_lowered:
.L_overlay_start_1:
0x0: {  	(tag) =	ssettag $0x1  }
0x1: {  	s6 =	rddreg [dreg:$0x0];
	s1 =	srdreg.scid  }
0x2: {  	s0 =	stileid.u32;
	s7 =	rddreg [dreg:$0x1];
	s4 =	simm.s32 $0x0  }
0x3: {  	s2 =	sand.u32 $0x1, s1;
	s3 =	sshll.u32 s0, $0x1;
	s1 =	rddreg [dreg:$0x2]  }
0x4: {  	[smem:$0x7FF] =	sst s4;
	s8 =	sor.u32 s2, s3;
	s2 =	ssub.s32 $0x2, s2  }
0x5: {  	s31 =	sshll.u32 s0, $0x6;
	s3 =	smul.u32 $0x4F80, s8;
	s30 =	sshrl.u32 s2, $0x1  }
0x6: {  	_ =	strace $0x80000047;
	s4 =	sor.u32 $0x1C01, s31;
	s9 =	ssub.s32 s2, s30  }
0x7: {  	s2 =	sadd.s32 s6, s3;
	s3 =	sadd.s32 s7, s3;
	s9 =	smax.u32 s9, $0x1  }
0x8: {  	[hbm:s3], [sflag:s4] =	dma.local [hbm:s2], $0x4F80  }
0x9: {  	s5 =	simm.s32 $0x1;
	s9 =	sadd.s32 $0xFFFFFFFF, s9  }
0xa: {  	p0 =	sne.s32 s8, $0x1F;
	_ =	swait.ge [sflag:s5], $0x4F80;
	p1 =	sne.s32 s9, $0x0  }
.Ltmp0:
0xb: {  	s8 =	simm.s32 @!p0 $0x1;
	[sflag:s5] =	ssyncset.done $0x0;
	(pc) =	sbr.rel @!p1 .LBB2_2-.Ltmp0, $4  }
0xc: {  	s6 =	sadd.s32 $0x9F000, s6;
	s7 =	sadd.s32 $0x9F000, s7;
	[sflag:s5] =	ssyncadd.s32 $0xFFFFB080  }
0xd: {  	[hbm:s7], [sflag:s4] =	dma.local @!p0 [hbm:s6], $0x4D80  }
0xe: {  	_ =	swait.ge @!p0 [sflag:s8], $0x4D80  }
0xf: {  	[sflag:s8] =	ssyncset.done @!p0 $0x0  }
.LBB2_1:
0x10: {  	s9 =	sadd.s32 $0xFFFFFFFF, s9;
	[sflag:s8] =	ssyncadd.s32 @!p0 $0xFFFFB280  }
0x11: {  	[hbm:s3], [sflag:s4] =	dma.local [hbm:s2], $0x4F80  }
0x12: {  	p1 =	sne.s32 s9, $0x0;
	_ =	swait.ge [sflag:s5], $0x4F80  }
.Ltmp1:
0x13: {  	[sflag:s5] =	ssyncset.done $0x0;
	(pc) =	sbr.rel @p1 .LBB2_1-.Ltmp1, $4  }
0x14: {  	[sflag:s5] =	ssyncadd.s32 $0xFFFFB080  }
0x15: {  	[hbm:s7], [sflag:s4] =	dma.local @!p0 [hbm:s6], $0x4D80  }
0x16: {  	_ =	swait.ge @!p0 [sflag:s8], $0x4D80  }
0x17: {  	[sflag:s8] =	ssyncset.done @!p0 $0x0  }
.LBB2_2:
0x18: {  	[sflag:s8] =	ssyncadd.s32 @!p0 $0xFFFFB280  }
0x19: {  	_ =	sfence.sel $0x180000  }
0x1a: {  	[bflag:$0x0] =	sbarrier.arrive $0xFFFF  }
0x1b: {  	p0 =	sne.s32 s0, $0x0;
	_ =	strace $0x90000047  }
0x1c: {  	s0 =	sadd.s32 @!p0 $0x100000, s1;
	[bflag:$0x2] =	sbarrier.arrive $0xFFFF  }
0x1d: {  	[sflag:s0] =	ssyncadd.tile.s32 @!p0 $0x1;
	_ =	shalt  }
.Lfunc_end2:
_tile_overlayer_lowered:
.L_overlay_start_2:
0x1e: {  	(tag) =	ssettag $0x2  }
0x1f: {  	s0 =	rddreg [dreg:$0x0];
	s2 =	stileid.u32  }
0x20: {  	s1 =	rddreg [dreg:$0x1];
	p0 =	sne.s32 s2, $0x0  }
0x21: {  	s3 =	rddreg [dreg:$0x2];
	[bflag:$0x3] =	sbarrier.arrive $0xFFFF;
	s2 =	simm.s32 @!p0 $0x1C01  }
0x22: {  	[timem:s3], [sflag:s2] =	dma.local @!p0 [hbm:s0], s1  }
0x23: {  	s0 =	simm.s32 @!p0 $0x1  }
0x24: {  	_ =	swait.ge @!p0 [sflag:s0], s1  }
0x25: {  	s1 =	ssub.s32 @!p0 $0x0, s1;
	[sflag:s0] =	ssyncset.done @!p0 $0x0  }
0x26: {  	[sflag:s0] =	ssyncadd.s32 @!p0 s1  }
0x27: {  	[bflag:$0x3] =	sbarrier.arrive $0xFFFF  }
0x28: {  	_ =	shalt  }

</sc_bundles>
